<compile_context>
chip_gen: v7x
topology: tpu7x:2x2x1
jax: 0.10.2.dev20260603
libtpu: 0.0.44.dev20260713+nightly
codegen_flags: <defaults>
</compile_context>

<pallas_src>
import functools

import jax
import jax.numpy as jnp
from jax import lax
from jax.experimental import pallas as pl
from jax.experimental.pallas import tpu as pltpu
from jax.experimental.pallas import tpu_sc as plsc

N_NODES = 10000
NUM_FEATURES = 128
HIDDEN_DIM = 64
NUM_CLASSES = 16

NC = 2
NS = 16
NW = NC * NS
K = 128
C0 = 84
C1 = 76
CHUNKS = (C0 + C1) // 2
E_PAD = NS * K * (C0 + C1)
N_PAD = 10240
RPT = N_PAD // NS
N_SC = 10016
RSC = N_SC // NS


def _sc_mesh():
    return plsc.VectorSubcoreMesh(core_axis_name="c", subcore_axis_name="s")


_SC_PARAMS = pltpu.CompilerParams(use_tc_tiling_on_sc=False)


DEG_W = 16


_DEG_DEPTH = 16
TOT_CHUNKS = 320000 // K
_DQ, _DR = divmod(TOT_CHUNKS, NW)


def _deg_body(dst_hbm, out_hbm, dst_v, ones_v, zbuf, acc, sem):
    cid = lax.axis_index("c")
    sid = lax.axis_index("s")
    wid = sid * NC + cid
    base = wid * _DQ + jnp.minimum(wid, _DR)
    cn = _DQ + jnp.where(wid < _DR, 1, 0)

    @pl.when(wid < _DR)
    def _():
        pltpu.sync_copy(dst_hbm.at[pl.ds(base, _DQ + 1)], dst_v)

    @pl.when(wid >= _DR)
    def _():
        pltpu.sync_copy(dst_hbm.at[pl.ds(base, _DQ)],
                        dst_v.at[pl.ds(0, _DQ)])

    ones16 = jnp.ones((16,), jnp.float32)
    zeros16 = jnp.zeros((16,), jnp.float32)

    def fill(i, carry):
        ones_v[i, :] = ones16
        zbuf[i, :] = zeros16
        return carry

    lax.fori_loop(0, K, fill, 0)
    for q in range(RSC // K):
        pltpu.sync_copy(zbuf, acc.at[pl.ds(sid * RSC + q * K, K)])
    rem = RSC % K
    if rem:
        pltpu.sync_copy(zbuf.at[pl.ds(0, rem)],
                        acc.at[pl.ds(sid * RSC + (RSC // K) * K, rem)])
    plsc.subcore_barrier()

    def step(j, carry):
        pltpu.async_copy(ones_v, acc.at[dst_v.at[j]], sem, add=True)
        return carry

    lax.fori_loop(0, _DEG_DEPTH, step, 0)

    def step2(j, carry):
        pltpu.make_async_copy(
            ones_v, acc.at[dst_v.at[j - _DEG_DEPTH]], sem).wait()
        pltpu.async_copy(ones_v, acc.at[dst_v.at[j]], sem, add=True)
        return carry

    lax.fori_loop(_DEG_DEPTH, cn, step2, 0)

    def drain(j, carry):
        pltpu.make_async_copy(ones_v, acc.at[dst_v.at[j]], sem).wait()
        return carry

    lax.fori_loop(cn - _DEG_DEPTH, cn, drain, 0)
    plsc.subcore_barrier()
    sl = pl.ds(sid * RSC, RSC)
    pltpu.sync_copy(acc.at[sl], out_hbm.at[cid, sl])


@jax.jit
def _sc_degree(dstr):
    return pl.kernel(
        _deg_body,
        out_type=jax.ShapeDtypeStruct((NC, N_SC, DEG_W), jnp.float32),
        mesh=_sc_mesh(),
        scratch_types=[
            pltpu.VMEM((_DQ + 1, K), jnp.int32),
            pltpu.VMEM((K, DEG_W), jnp.float32),
            pltpu.VMEM((K, DEG_W), jnp.float32),
            pltpu.VMEM_SHARED((N_SC, DEG_W), jnp.float32),
            pltpu.SemaphoreType.DMA,
        ],
        compiler_params=_SC_PARAMS,
    )(dstr)


_NBUF = 2


def _agg_body(h_hbm, sd_hbm, out_hbm,
              src_v, dst_v, rows, tbl, acc, gsems, ssems):
    d = rows.shape[-1]
    cid = lax.axis_index("c")
    sid = lax.axis_index("s")
    wid = sid * NC + cid
    cn = jnp.where(cid == 0, C0, C1)

    @pl.when(cid == 0)
    def _():
        pltpu.sync_copy(sd_hbm.at[0, sid, pl.ds(0, C0)], src_v)
        pltpu.sync_copy(sd_hbm.at[1, sid, pl.ds(0, C0)], dst_v)

    @pl.when(cid == 1)
    def _():
        pltpu.sync_copy(sd_hbm.at[0, sid, pl.ds(C0, C1)],
                        src_v.at[pl.ds(0, C1)])
        pltpu.sync_copy(sd_hbm.at[1, sid, pl.ds(C0, C1)],
                        dst_v.at[pl.ds(0, C1)])
    sl = pl.ds(sid * RSC, RSC)
    pltpu.sync_copy(h_hbm.at[sl], tbl.at[sl])
    zeros16 = jnp.zeros((16,), jnp.float32)

    def zstep(i, carry):
        rows[0, i // (d // 16), pl.ds((i % (d // 16)) * 16, 16)] = zeros16
        return carry

    lax.fori_loop(0, K * d // 16, zstep, 0)
    for q in range(RSC // K):
        pltpu.sync_copy(rows.at[0], acc.at[pl.ds(sid * RSC + q * K, K)])
    rem = RSC % K
    if rem:
        pltpu.sync_copy(rows.at[0, pl.ds(0, rem)],
                        acc.at[pl.ds(sid * RSC + (RSC // K) * K, rem)])
    plsc.subcore_barrier()

    for b in range(_NBUF):
        pltpu.async_copy(tbl.at[src_v.at[b]], rows.at[b], gsems.at[b])

    def step(t, carry):
        j0 = t * _NBUF
        for b in range(_NBUF):
            j = j0 + b
            pltpu.make_async_copy(
                tbl.at[src_v.at[j]], rows.at[b], gsems.at[b]).wait()
            pltpu.async_copy(
                rows.at[b], acc.at[dst_v.at[j]], ssems.at[b], add=True)
        for b in range(_NBUF):
            j = j0 + b
            pltpu.make_async_copy(
                rows.at[b], acc.at[dst_v.at[j]], ssems.at[b]).wait()
            pltpu.async_copy(
                tbl.at[src_v.at[j + _NBUF]], rows.at[b], gsems.at[b])
        return carry

    lax.fori_loop(0, cn // _NBUF - 1, step, 0)
    j0 = cn - _NBUF
    for b in range(_NBUF):
        j = j0 + b
        pltpu.make_async_copy(
            tbl.at[src_v.at[j]], rows.at[b], gsems.at[b]).wait()
        pltpu.async_copy(
            rows.at[b], acc.at[dst_v.at[j]], ssems.at[b], add=True)
    for b in range(_NBUF):
        j = j0 + b
        pltpu.make_async_copy(
            rows.at[b], acc.at[dst_v.at[j]], ssems.at[b]).wait()
    plsc.subcore_barrier()
    pltpu.sync_copy(acc.at[sl], out_hbm.at[cid, sl])


@functools.partial(jax.jit, static_argnames=("d",))
def _sc_aggregate(h, sd3, d):
    return pl.kernel(
        _agg_body,
        out_type=jax.ShapeDtypeStruct((NC, N_SC, d), jnp.float32),
        mesh=_sc_mesh(),
        scratch_types=[
            pltpu.VMEM((C0, K), jnp.int32),
            pltpu.VMEM((C0, K), jnp.int32),
            pltpu.VMEM((_NBUF, K, d), jnp.float32),
            pltpu.VMEM_SHARED((N_SC, d), jnp.float32),
            pltpu.VMEM_SHARED((N_SC, d), jnp.float32),
            pltpu.SemaphoreType.DMA((_NBUF,)),
            pltpu.SemaphoreType.DMA((_NBUF,)),
        ],
        compiler_params=_SC_PARAMS,
    )(h, sd3)


def _mm1_body(x_ref, w_ref, h_ref):
    h_ref[...] = jnp.dot(x_ref[...], w_ref[...],
                         preferred_element_type=jnp.float32)


def _tc_matmul1(x, w1):
    return pl.pallas_call(
        _mm1_body,
        out_shape=jax.ShapeDtypeStruct((N_NODES, HIDDEN_DIM), jnp.float32),
    )(x, w1)


def _scale1_body(h_ref, degp_ref, hs_ref, dinv_ref):
    deg = degp_ref[0, :, 0:1] + degp_ref[1, :, 0:1] + 1.0
    dinv = lax.rsqrt(deg)
    hs_ref[:N_NODES, :] = h_ref[...] * dinv[:N_NODES]
    hs_ref[N_NODES:, :] = jnp.zeros((N_SC - N_NODES, HIDDEN_DIM), jnp.float32)
    dinv_ref[...] = dinv


def _tc_scale1(h1, degp):
    return pl.pallas_call(
        _scale1_body,
        out_shape=[
            jax.ShapeDtypeStruct((N_SC, HIDDEN_DIM), jnp.float32),
            jax.ShapeDtypeStruct((N_SC, 1), jnp.float32),
        ],
    )(h1, degp)


def _mid_body(part_ref, h1s_ref, dinv_ref, w2_ref, b1_ref, h2s_ref):
    s1 = part_ref[0] + part_ref[1] + h1s_ref[...]
    dinv = dinv_ref[...]
    g1 = jnp.maximum(s1 * dinv + b1_ref[...], 0.0)
    h2s_ref[...] = jnp.dot(g1, w2_ref[...],
                           preferred_element_type=jnp.float32) * dinv


def _tc_mid(part1, h1s, dinv, w2, b1r):
    return pl.pallas_call(
        _mid_body,
        out_shape=jax.ShapeDtypeStruct((N_SC, NUM_CLASSES), jnp.float32),
    )(part1, h1s, dinv, w2, b1r)


def _fin_body(part_ref, h2s_ref, dinv_ref, b2_ref, o_ref):
    s2 = (part_ref[0, :N_NODES] + part_ref[1, :N_NODES]
          + h2s_ref[:N_NODES])
    o_ref[...] = jax.nn.sigmoid(
        s2 * dinv_ref[:N_NODES] + b2_ref[...])


def _tc_final(part2, h2s, dinv, b2r):
    return pl.pallas_call(
        _fin_body,
        out_shape=jax.ShapeDtypeStruct((N_NODES, NUM_CLASSES), jnp.float32),
    )(part2, h2s, dinv, b2r)


def kernel(x, edge_index, W1, b1, W2, b2):
    E = edge_index.shape[1]
    ei = edge_index.astype(jnp.int32)
    sd3 = jnp.concatenate(
        [ei, jnp.full((2, E_PAD - E), N_NODES, jnp.int32)],
        axis=1).reshape(2, NS, C0 + C1, K)
    degp = _sc_degree(ei[1].reshape(TOT_CHUNKS, K))
    h1 = _tc_matmul1(x, W1)
    h1s, dinv = _tc_scale1(h1, degp)
    part1 = _sc_aggregate(h1s, sd3, HIDDEN_DIM)
    h2s = _tc_mid(part1, h1s, dinv, W2, b1.reshape(1, HIDDEN_DIM))
    part2 = _sc_aggregate(h2s, sd3, NUM_CLASSES)
    return _tc_final(part2, h2s, dinv, b2.reshape(1, NUM_CLASSES))

# --- scband reference (transcript-rebuilt; emitter-appended) ---
"""Pipeline reference for scband-gcn-12910671692309 (READ-ONLY COPY).

The authoritative reference and input builder live on the scoring server;
editing this copy changes nothing except your own understanding.
"""

import jax, jax.numpy as jnp
import numpy as np

N_NODES = 10000
N_EDGES = 320000
NUM_FEATURES = 128
HIDDEN_DIM = 64
NUM_CLASSES = 16


def _gcn_conv(x, edge_index, W, b):
    # Faithful GCNConv: add self-loops, symmetric normalization, sum aggregation, bias.
    N = x.shape[0]
    loop = jnp.arange(N, dtype=edge_index.dtype)
    src = jnp.concatenate([edge_index[0], loop])
    dst = jnp.concatenate([edge_index[1], loop])
    deg = jnp.zeros((N,), dtype=x.dtype).at[dst].add(1.0)
    dinv = jnp.where(deg > 0, deg ** -0.5, 0.0)
    norm = dinv[src] * dinv[dst]
    h = x @ W
    msg = h[src] * norm[:, None]
    out = jnp.zeros((N, W.shape[1]), dtype=x.dtype).at[dst].add(msg)
    return out + b


def setup_inputs(seed: int = 0) -> dict:
    key = jax.random.key(seed)
    k_x, k_e, k_w1, k_b1, k_w2, k_b2 = jax.random.split(key, 6)
    x = jax.random.normal(k_x, (N_NODES, NUM_FEATURES), dtype=jnp.float32)
    edge_index = jax.random.randint(k_e, (2, N_EDGES), 0, N_NODES, dtype=jnp.int64)
    # Learned parameters (Glorot-style scaling, matching GCNConv defaults)
    W1 = jax.random.normal(k_w1, (NUM_FEATURES, HIDDEN_DIM), dtype=jnp.float32) * (1.0 / np.sqrt(NUM_FEATURES))
    b1 = jnp.zeros((HIDDEN_DIM,), dtype=jnp.float32)
    W2 = jax.random.normal(k_w2, (HIDDEN_DIM, NUM_CLASSES), dtype=jnp.float32) * (1.0 / np.sqrt(HIDDEN_DIM))
    b2 = jnp.zeros((NUM_CLASSES,), dtype=jnp.float32)
    return {"x": x, "edge_index": edge_index, "W1": W1, "b1": b1, "W2": W2, "b2": b2}


def reference(x, edge_index, W1, b1, W2, b2):
    h = _gcn_conv(x, edge_index, W1, b1)
    h = jax.nn.relu(h)
    # dropout p=0.5 is identity in eval mode (self.training == False)
    out = _gcn_conv(h, edge_index, W2, b2)
    return jax.nn.sigmoid(out)

if __name__ == "__main__":
    import jax
    _d = setup_inputs()
    print(jax.jit(kernel)(*tuple(_d.values())))

</pallas_src>

<mosaic_0001>
#map = affine_map<(d0, d1) -> (0, 0)>
#map1 = affine_map<(d0, d1) -> (0, 0, 0)>
module attributes {stable_mosaic.version = 14 : i64} {
  func.func @_deg_body(%arg0: i32, %arg1: i32, %arg2: memref<2500x128xi32, #tpu.memory_space<hbm>>, %arg3: memref<2x10016x16xf32, #tpu.memory_space<hbm>>, %arg4: memref<79x128xi32, #tpu.memory_space<vmem>>, %arg5: memref<128x16xf32, #tpu.memory_space<vmem>>, %arg6: memref<128x16xf32, #tpu.memory_space<vmem>>, %arg7: memref<10016x16xf32, #tpu.memory_space<vmem_shared>>, %arg8: memref<!tpu.dma_semaphore, #tpu.memory_space<semaphore_mem>>) attributes {dimension_semantics = [#tpu.dimension_semantics<core_parallel>, #tpu.dimension_semantics<subcore_parallel>], iteration_bounds = array<i64: 2, 16>, scalar_prefetch = 0 : i64, scratch_operands = 5 : i64, tpu.core_type = #tpu.core_type<sc_vector_subcore>, window_params = [{transform_indices = #map}, {transform_indices = #map1}]} {
    %mul3A = arith.constant 2 : i32
    %mul3A_0 = arith.muli %arg1, %mul3A : i32
    %add3A = arith.addi %mul3A_0, %arg0 : i32
    %mul3A_1 = arith.constant 78 : i32
    %mul3A_2 = arith.muli %add3A, %mul3A_1 : i32
    %min3A = arith.constant 4 : i32
    %min3A_3 = arith.minsi %add3A, %min3A : i32
    %add3A_4 = arith.addi %mul3A_2, %min3A_3 : i32
    %lt3A = arith.constant 4 : i32
    %lt3A_5 = arith.cmpi slt, %add3A, %lt3A : i32
    %jit3A = arith.constant 1 : i32
    %jit3A_6 = arith.constant 0 : i32
    %select_n3A = arith.select %lt3A_5, %jit3A, %jit3A_6 : i32
    %add3A_7 = arith.constant 78 : i32
    %add3A_8 = arith.addi %add3A_7, %select_n3A : i32
    %lt3A_9 = arith.constant 4 : i32
    %lt3A_10 = arith.cmpi slt, %add3A, %lt3A_9 : i32
    %convert_element_type3A = arith.extui %lt3A_10 : i1 to i32
    %cond3A = arith.constant 0 : i32
    %cond3A_11 = arith.cmpi ne, %convert_element_type3A, %cond3A : i32
    scf.if %cond3A_11 {
      "tpu.region"() ({
        %run_scoped3A = tpu.sem_alloc : memref<!tpu.dma_semaphore, #tpu.memory_space<semaphore_mem>>
        %dma_start3A = arith.constant 0 : i32
        %dma_start3A_72 = tpu.memref_slice %arg2[%add3A_4, %dma_start3A] : memref<2500x128xi32, #tpu.memory_space<hbm>> -> memref<79x128xi32, #tpu.memory_space<hbm>>
        %dma_start3A_73 = arith.constant 0 : i32
        %dma_start3A_74 = tpu.memref_slice %arg2[%add3A_4, %dma_start3A_73] : memref<2500x128xi32, #tpu.memory_space<hbm>> -> memref<79x128xi32, #tpu.memory_space<hbm>>
        tpu.enqueue_dma source(%dma_start3A_74 : memref<79x128xi32, #tpu.memory_space<hbm>>) target(%arg4 : memref<79x128xi32, #tpu.memory_space<vmem>>) target_semaphore(%run_scoped3A : memref<!tpu.dma_semaphore, #tpu.memory_space<semaphore_mem>>)
        %dma_wait3A = arith.constant 0 : i32
        %dma_wait3A_75 = tpu.memref_slice %arg2[%add3A_4, %dma_wait3A] : memref<2500x128xi32, #tpu.memory_space<hbm>> -> memref<79x128xi32, #tpu.memory_space<hbm>>
        %dma_wait3A_76 = arith.constant 0 : i32
        %dma_wait3A_77 = tpu.memref_slice %arg2[%add3A_4, %dma_wait3A_76] : memref<2500x128xi32, #tpu.memory_space<hbm>> -> memref<79x128xi32, #tpu.memory_space<hbm>>
        tpu.wait_dma2 semaphore(%run_scoped3A : memref<!tpu.dma_semaphore, #tpu.memory_space<semaphore_mem>>) src(%dma_wait3A_77 : memref<79x128xi32, #tpu.memory_space<hbm>>) dst(%arg4 : memref<79x128xi32, #tpu.memory_space<vmem>>)
        tpu.yield
      }) : () -> ()
    } else {
    }
    %ge3A = arith.constant 4 : i32
    %ge3A_12 = arith.cmpi sge, %add3A, %ge3A : i32
    %convert_element_type3A_13 = arith.extui %ge3A_12 : i1 to i32
    %cond3A_14 = arith.constant 0 : i32
    %cond3A_15 = arith.cmpi ne, %convert_element_type3A_13, %cond3A_14 : i32
    scf.if %cond3A_15 {
      "tpu.region"() ({
        %run_scoped3A = tpu.sem_alloc : memref<!tpu.dma_semaphore, #tpu.memory_space<semaphore_mem>>
        %dma_start3A = arith.constant 0 : i32
        %dma_start3A_72 = arith.constant 0 : i32
        %dma_start3A_73 = tpu.memref_slice %arg4[%dma_start3A, %dma_start3A_72] : memref<79x128xi32, #tpu.memory_space<vmem>> -> memref<78x128xi32, #tpu.memory_space<vmem>>
        %dma_start3A_74 = arith.constant 0 : i32
        %dma_start3A_75 = tpu.memref_slice %arg2[%add3A_4, %dma_start3A_74] : memref<2500x128xi32, #tpu.memory_space<hbm>> -> memref<78x128xi32, #tpu.memory_space<hbm>>
        %dma_start3A_76 = arith.constant 0 : i32
        %dma_start3A_77 = arith.constant 0 : i32
        %dma_start3A_78 = tpu.memref_slice %arg4[%dma_start3A_76, %dma_start3A_77] : memref<79x128xi32, #tpu.memory_space<vmem>> -> memref<78x128xi32, #tpu.memory_space<vmem>>
        %dma_start3A_79 = arith.constant 0 : i32
        %dma_start3A_80 = tpu.memref_slice %arg2[%add3A_4, %dma_start3A_79] : memref<2500x128xi32, #tpu.memory_space<hbm>> -> memref<78x128xi32, #tpu.memory_space<hbm>>
        tpu.enqueue_dma source(%dma_start3A_80 : memref<78x128xi32, #tpu.memory_space<hbm>>) target(%dma_start3A_78 : memref<78x128xi32, #tpu.memory_space<vmem>>) target_semaphore(%run_scoped3A : memref<!tpu.dma_semaphore, #tpu.memory_space<semaphore_mem>>)
        %dma_wait3A = arith.constant 0 : i32
        %dma_wait3A_81 = arith.constant 0 : i32
        %dma_wait3A_82 = tpu.memref_slice %arg4[%dma_wait3A, %dma_wait3A_81] : memref<79x128xi32, #tpu.memory_space<vmem>> -> memref<78x128xi32, #tpu.memory_space<vmem>>
        %dma_wait3A_83 = arith.constant 0 : i32
        %dma_wait3A_84 = tpu.memref_slice %arg2[%add3A_4, %dma_wait3A_83] : memref<2500x128xi32, #tpu.memory_space<hbm>> -> memref<78x128xi32, #tpu.memory_space<hbm>>
        %dma_wait3A_85 = arith.constant 0 : i32
        %dma_wait3A_86 = arith.constant 0 : i32
        %dma_wait3A_87 = tpu.memref_slice %arg4[%dma_wait3A_85, %dma_wait3A_86] : memref<79x128xi32, #tpu.memory_space<vmem>> -> memref<78x128xi32, #tpu.memory_space<vmem>>
        %dma_wait3A_88 = arith.constant 0 : i32
        %dma_wait3A_89 = tpu.memref_slice %arg2[%add3A_4, %dma_wait3A_88] : memref<2500x128xi32, #tpu.memory_space<hbm>> -> memref<78x128xi32, #tpu.memory_space<hbm>>
        tpu.wait_dma2 semaphore(%run_scoped3A : memref<!tpu.dma_semaphore, #tpu.memory_space<semaphore_mem>>) src(%dma_wait3A_89 : memref<78x128xi32, #tpu.memory_space<hbm>>) dst(%dma_wait3A_87 : memref<78x128xi32, #tpu.memory_space<vmem>>)
        tpu.yield
      }) : () -> ()
    } else {
    }
    %broadcast_in_dim3A = arith.constant 1.000000e+00 : f32
    %broadcast_in_dim3A_16 = vector.broadcast %broadcast_in_dim3A : f32 to vector<16xf32>
    %broadcast_in_dim3A_17 = arith.constant 0.000000e+00 : f32
    %broadcast_in_dim3A_18 = vector.broadcast %broadcast_in_dim3A_17 : f32 to vector<16xf32>
    %scan3A = arith.constant 0 : i32
    %scan3A_19 = arith.constant 0 : i32
    %scan3A_20 = arith.constant 128 : i32
    %scan3A_21 = arith.addi %scan3A_19, %scan3A_20 : i32
    %scan3A_22 = arith.constant 1 : i32
    scf.for %scan3A_72 = %scan3A_19 to %scan3A_21 step %scan3A_22  : i32 {
      %swap3A = arith.index_cast %scan3A_72 : i32 to index
      %swap3A_73 = arith.constant 0 : index
      %swap3A_74 = tpu.vector_load %arg5[%swap3A, %swap3A_73] {strides = array<i32>} : memref<128x16xf32, #tpu.memory_space<vmem>>, vector<1x16xf32>,
      %swap3A_75 = vector.shape_cast %swap3A_74 : vector<1x16xf32> to vector<16xf32>
      %swap3A_76 = vector.shape_cast %broadcast_in_dim3A_16 : vector<16xf32> to vector<1x16xf32>
      tpu.vector_store %arg5[%swap3A, %swap3A_73], %swap3A_76 {strides = array<i32>} : memref<128x16xf32, #tpu.memory_space<vmem>>, vector<1x16xf32>,
      %swap3A_77 = arith.index_cast %scan3A_72 : i32 to index
      %swap3A_78 = arith.constant 0 : index
      %swap3A_79 = tpu.vector_load %arg6[%swap3A_77, %swap3A_78] {strides = array<i32>} : memref<128x16xf32, #tpu.memory_space<vmem>>, vector<1x16xf32>,
      %swap3A_80 = vector.shape_cast %swap3A_79 : vector<1x16xf32> to vector<16xf32>
      %swap3A_81 = vector.shape_cast %broadcast_in_dim3A_18 : vector<16xf32> to vector<1x16xf32>
      tpu.vector_store %arg6[%swap3A_77, %swap3A_78], %swap3A_81 {strides = array<i32>} : memref<128x16xf32, #tpu.memory_space<vmem>>, vector<1x16xf32>,
    }
    %scan3A_23 = arith.constant 128 : i32
    %mul3A_24 = arith.constant 626 : i32
    %mul3A_25 = arith.muli %arg1, %mul3A_24 : i32
    %add3A_26 = arith.constant 0 : i32
    %add3A_27 = arith.addi %mul3A_25, %add3A_26 : i32
    "tpu.region"() ({
      %run_scoped3A = tpu.sem_alloc : memref<!tpu.dma_semaphore, #tpu.memory_space<semaphore_mem>>
      %dma_start3A = arith.constant 0 : i32
      %dma_start3A_72 = tpu.memref_slice %arg7[%add3A_27, %dma_start3A] : memref<10016x16xf32, #tpu.memory_space<vmem_shared>> -> memref<128x16xf32, #tpu.memory_space<vmem_shared>>
      %dma_start3A_73 = arith.constant 0 : i32
      %dma_start3A_74 = tpu.memref_slice %arg7[%add3A_27, %dma_start3A_73] : memref<10016x16xf32, #tpu.memory_space<vmem_shared>> -> memref<128x16xf32, #tpu.memory_space<vmem_shared>>
      tpu.enqueue_dma source(%arg6 : memref<128x16xf32, #tpu.memory_space<vmem>>) target(%dma_start3A_74 : memref<128x16xf32, #tpu.memory_space<vmem_shared>>) target_semaphore(%run_scoped3A : memref<!tpu.dma_semaphore, #tpu.memory_space<semaphore_mem>>)
      %dma_wait3A = arith.constant 0 : i32
      %dma_wait3A_75 = tpu.memref_slice %arg7[%add3A_27, %dma_wait3A] : memref<10016x16xf32, #tpu.memory_space<vmem_shared>> -> memref<128x16xf32, #tpu.memory_space<vmem_shared>>
      %dma_wait3A_76 = arith.constant 0 : i32
      %dma_wait3A_77 = tpu.memref_slice %arg7[%add3A_27, %dma_wait3A_76] : memref<10016x16xf32, #tpu.memory_space<vmem_shared>> -> memref<128x16xf32, #tpu.memory_space<vmem_shared>>
      tpu.wait_dma2 semaphore(%run_scoped3A : memref<!tpu.dma_semaphore, #tpu.memory_space<semaphore_mem>>) src(%arg6 : memref<128x16xf32, #tpu.memory_space<vmem>>) dst(%dma_wait3A_77 : memref<128x16xf32, #tpu.memory_space<vmem_shared>>)
      tpu.yield
    }) : () -> ()
    %mul3A_28 = arith.constant 626 : i32
    %mul3A_29 = arith.muli %arg1, %mul3A_28 : i32
    %add3A_30 = arith.constant 128 : i32
    %add3A_31 = arith.addi %mul3A_29, %add3A_30 : i32
    "tpu.region"() ({
      %run_scoped3A = tpu.sem_alloc : memref<!tpu.dma_semaphore, #tpu.memory_space<semaphore_mem>>
      %dma_start3A = arith.constant 0 : i32
      %dma_start3A_72 = tpu.memref_slice %arg7[%add3A_31, %dma_start3A] : memref<10016x16xf32, #tpu.memory_space<vmem_shared>> -> memref<128x16xf32, #tpu.memory_space<vmem_shared>>
      %dma_start3A_73 = arith.constant 0 : i32
      %dma_start3A_74 = tpu.memref_slice %arg7[%add3A_31, %dma_start3A_73] : memref<10016x16xf32, #tpu.memory_space<vmem_shared>> -> memref<128x16xf32, #tpu.memory_space<vmem_shared>>
      tpu.enqueue_dma source(%arg6 : memref<128x16xf32, #tpu.memory_space<vmem>>) target(%dma_start3A_74 : memref<128x16xf32, #tpu.memory_space<vmem_shared>>) target_semaphore(%run_scoped3A : memref<!tpu.dma_semaphore, #tpu.memory_space<semaphore_mem>>)
      %dma_wait3A = arith.constant 0 : i32
      %dma_wait3A_75 = tpu.memref_slice %arg7[%add3A_31, %dma_wait3A] : memref<10016x16xf32, #tpu.memory_space<vmem_shared>> -> memref<128x16xf32, #tpu.memory_space<vmem_shared>>
      %dma_wait3A_76 = arith.constant 0 : i32
      %dma_wait3A_77 = tpu.memref_slice %arg7[%add3A_31, %dma_wait3A_76] : memref<10016x16xf32, #tpu.memory_space<vmem_shared>> -> memref<128x16xf32, #tpu.memory_space<vmem_shared>>
      tpu.wait_dma2 semaphore(%run_scoped3A : memref<!tpu.dma_semaphore, #tpu.memory_space<semaphore_mem>>) src(%arg6 : memref<128x16xf32, #tpu.memory_space<vmem>>) dst(%dma_wait3A_77 : memref<128x16xf32, #tpu.memory_space<vmem_shared>>)
      tpu.yield
    }) : () -> ()
    %mul3A_32 = arith.constant 626 : i32
    %mul3A_33 = arith.muli %arg1, %mul3A_32 : i32
    %add3A_34 = arith.constant 256 : i32
    %add3A_35 = arith.addi %mul3A_33, %add3A_34 : i32
    "tpu.region"() ({
      %run_scoped3A = tpu.sem_alloc : memref<!tpu.dma_semaphore, #tpu.memory_space<semaphore_mem>>
      %dma_start3A = arith.constant 0 : i32
      %dma_start3A_72 = tpu.memref_slice %arg7[%add3A_35, %dma_start3A] : memref<10016x16xf32, #tpu.memory_space<vmem_shared>> -> memref<128x16xf32, #tpu.memory_space<vmem_shared>>
      %dma_start3A_73 = arith.constant 0 : i32
      %dma_start3A_74 = tpu.memref_slice %arg7[%add3A_35, %dma_start3A_73] : memref<10016x16xf32, #tpu.memory_space<vmem_shared>> -> memref<128x16xf32, #tpu.memory_space<vmem_shared>>
      tpu.enqueue_dma source(%arg6 : memref<128x16xf32, #tpu.memory_space<vmem>>) target(%dma_start3A_74 : memref<128x16xf32, #tpu.memory_space<vmem_shared>>) target_semaphore(%run_scoped3A : memref<!tpu.dma_semaphore, #tpu.memory_space<semaphore_mem>>)
      %dma_wait3A = arith.constant 0 : i32
      %dma_wait3A_75 = tpu.memref_slice %arg7[%add3A_35, %dma_wait3A] : memref<10016x16xf32, #tpu.memory_space<vmem_shared>> -> memref<128x16xf32, #tpu.memory_space<vmem_shared>>
      %dma_wait3A_76 = arith.constant 0 : i32
      %dma_wait3A_77 = tpu.memref_slice %arg7[%add3A_35, %dma_wait3A_76] : memref<10016x16xf32, #tpu.memory_space<vmem_shared>> -> memref<128x16xf32, #tpu.memory_space<vmem_shared>>
      tpu.wait_dma2 semaphore(%run_scoped3A : memref<!tpu.dma_semaphore, #tpu.memory_space<semaphore_mem>>) src(%arg6 : memref<128x16xf32, #tpu.memory_space<vmem>>) dst(%dma_wait3A_77 : memref<128x16xf32, #tpu.memory_space<vmem_shared>>)
      tpu.yield
    }) : () -> ()
    %mul3A_36 = arith.constant 626 : i32
    %mul3A_37 = arith.muli %arg1, %mul3A_36 : i32
    %add3A_38 = arith.constant 384 : i32
    %add3A_39 = arith.addi %mul3A_37, %add3A_38 : i32
    "tpu.region"() ({
      %run_scoped3A = tpu.sem_alloc : memref<!tpu.dma_semaphore, #tpu.memory_space<semaphore_mem>>
      %dma_start3A = arith.constant 0 : i32
      %dma_start3A_72 = tpu.memref_slice %arg7[%add3A_39, %dma_start3A] : memref<10016x16xf32, #tpu.memory_space<vmem_shared>> -> memref<128x16xf32, #tpu.memory_space<vmem_shared>>
      %dma_start3A_73 = arith.constant 0 : i32
      %dma_start3A_74 = tpu.memref_slice %arg7[%add3A_39, %dma_start3A_73] : memref<10016x16xf32, #tpu.memory_space<vmem_shared>> -> memref<128x16xf32, #tpu.memory_space<vmem_shared>>
      tpu.enqueue_dma source(%arg6 : memref<128x16xf32, #tpu.memory_space<vmem>>) target(%dma_start3A_74 : memref<128x16xf32, #tpu.memory_space<vmem_shared>>) target_semaphore(%run_scoped3A : memref<!tpu.dma_semaphore, #tpu.memory_space<semaphore_mem>>)
      %dma_wait3A = arith.constant 0 : i32
      %dma_wait3A_75 = tpu.memref_slice %arg7[%add3A_39, %dma_wait3A] : memref<10016x16xf32, #tpu.memory_space<vmem_shared>> -> memref<128x16xf32, #tpu.memory_space<vmem_shared>>
      %dma_wait3A_76 = arith.constant 0 : i32
      %dma_wait3A_77 = tpu.memref_slice %arg7[%add3A_39, %dma_wait3A_76] : memref<10016x16xf32, #tpu.memory_space<vmem_shared>> -> memref<128x16xf32, #tpu.memory_space<vmem_shared>>
      tpu.wait_dma2 semaphore(%run_scoped3A : memref<!tpu.dma_semaphore, #tpu.memory_space<semaphore_mem>>) src(%arg6 : memref<128x16xf32, #tpu.memory_space<vmem>>) dst(%dma_wait3A_77 : memref<128x16xf32, #tpu.memory_space<vmem_shared>>)
      tpu.yield
    }) : () -> ()
    %mul3A_40 = arith.constant 626 : i32
    %mul3A_41 = arith.muli %arg1, %mul3A_40 : i32
    %add3A_42 = arith.constant 512 : i32
    %add3A_43 = arith.addi %mul3A_41, %add3A_42 : i32
    "tpu.region"() ({
      %run_scoped3A = tpu.sem_alloc : memref<!tpu.dma_semaphore, #tpu.memory_space<semaphore_mem>>
      %dma_start3A = arith.constant 0 : i32
      %dma_start3A_72 = arith.constant 0 : i32
      %dma_start3A_73 = tpu.memref_slice %arg6[%dma_start3A, %dma_start3A_72] : memref<128x16xf32, #tpu.memory_space<vmem>> -> memref<114x16xf32, #tpu.memory_space<vmem>>
      %dma_start3A_74 = arith.constant 0 : i32
      %dma_start3A_75 = tpu.memref_slice %arg7[%add3A_43, %dma_start3A_74] : memref<10016x16xf32, #tpu.memory_space<vmem_shared>> -> memref<114x16xf32, #tpu.memory_space<vmem_shared>>
      %dma_start3A_76 = arith.constant 0 : i32
      %dma_start3A_77 = tpu.memref_slice %arg7[%add3A_43, %dma_start3A_76] : memref<10016x16xf32, #tpu.memory_space<vmem_shared>> -> memref<114x16xf32, #tpu.memory_space<vmem_shared>>
      %dma_start3A_78 = arith.constant 0 : i32
      %dma_start3A_79 = arith.constant 0 : i32
      %dma_start3A_80 = tpu.memref_slice %arg6[%dma_start3A_78, %dma_start3A_79] : memref<128x16xf32, #tpu.memory_space<vmem>> -> memref<114x16xf32, #tpu.memory_space<vmem>>
      tpu.enqueue_dma source(%dma_start3A_80 : memref<114x16xf32, #tpu.memory_space<vmem>>) target(%dma_start3A_77 : memref<114x16xf32, #tpu.memory_space<vmem_shared>>) target_semaphore(%run_scoped3A : memref<!tpu.dma_semaphore, #tpu.memory_space<semaphore_mem>>)
      %dma_wait3A = arith.constant 0 : i32
      %dma_wait3A_81 = arith.constant 0 : i32
      %dma_wait3A_82 = tpu.memref_slice %arg6[%dma_wait3A, %dma_wait3A_81] : memref<128x16xf32, #tpu.memory_space<vmem>> -> memref<114x16xf32, #tpu.memory_space<vmem>>
      %dma_wait3A_83 = arith.constant 0 : i32
      %dma_wait3A_84 = tpu.memref_slice %arg7[%add3A_43, %dma_wait3A_83] : memref<10016x16xf32, #tpu.memory_space<vmem_shared>> -> memref<114x16xf32, #tpu.memory_space<vmem_shared>>
      %dma_wait3A_85 = arith.constant 0 : i32
      %dma_wait3A_86 = tpu.memref_slice %arg7[%add3A_43, %dma_wait3A_85] : memref<10016x16xf32, #tpu.memory_space<vmem_shared>> -> memref<114x16xf32, #tpu.memory_space<vmem_shared>>
      %dma_wait3A_87 = arith.constant 0 : i32
      %dma_wait3A_88 = arith.constant 0 : i32
      %dma_wait3A_89 = tpu.memref_slice %arg6[%dma_wait3A_87, %dma_wait3A_88] : memref<128x16xf32, #tpu.memory_space<vmem>> -> memref<114x16xf32, #tpu.memory_space<vmem>>
      tpu.wait_dma2 semaphore(%run_scoped3A : memref<!tpu.dma_semaphore, #tpu.memory_space<semaphore_mem>>) src(%dma_wait3A_89 : memref<114x16xf32, #tpu.memory_space<vmem>>) dst(%dma_wait3A_86 : memref<114x16xf32, #tpu.memory_space<vmem_shared>>)
      tpu.yield
    }) : () -> ()
    %barrier3A = arith.constant 0 : index
    tpu.barrier barrier_id(%barrier3A)
    %scan3A_44 = arith.constant 0 : i32
    %scan3A_45 = arith.constant 0 : i32
    %scan3A_46 = arith.constant 16 : i32
    %scan3A_47 = arith.addi %scan3A_45, %scan3A_46 : i32
    %scan3A_48 = arith.constant 1 : i32
    scf.for %scan3A_72 = %scan3A_45 to %scan3A_47 step %scan3A_48  : i32 {
      %dma_start3A = arith.constant 0 : i32
      %dma_start3A_73 = tpu.memref_slice %arg4[%scan3A_72, %dma_start3A] : memref<79x128xi32, #tpu.memory_space<vmem>> -> memref<1x128xi32, #tpu.memory_space<vmem>>
      %dma_start3A_74 = tpu.memref_squeeze %dma_start3A_73 : memref<1x128xi32, #tpu.memory_space<vmem>> -> memref<128xi32, #tpu.memory_space<vmem>>
      %dma_start3A_75 = arith.constant 0 : i32
      %dma_start3A_76 = arith.constant 0 : i32
      %dma_start3A_77 = tpu.memref_slice %arg7[%dma_start3A_75, %dma_start3A_76] : memref<10016x16xf32, #tpu.memory_space<vmem_shared>> -> memref<10016x16xf32, #tpu.memory_space<vmem_shared>>
      tpu.enqueue_indirect_dma source(%arg5 : memref<128x16xf32, #tpu.memory_space<vmem>>) target(%dma_start3A_77 : memref<10016x16xf32, #tpu.memory_space<vmem_shared>>) offsets(%dma_start3A_74 : memref<128xi32, #tpu.memory_space<vmem>>) semaphore(%arg8 : memref<!tpu.dma_semaphore, #tpu.memory_space<semaphore_mem>>) {add = true}
    }
    %scan3A_49 = arith.constant 16 : i32
    %while3A = arith.constant 0 : i32
    %while3A_50 = arith.constant 16 : i32
    %while3A_51 = arith.subi %add3A_8, %while3A_50 : i32
    %while3A_52 = arith.addi %while3A_50, %while3A_51 : i32
    %while3A_53 = arith.constant 1 : i32
    %while3A_54 = arith.divsi %while3A_51, %while3A_53 : i32
    %while3A_55 = arith.muli %while3A_54, %while3A_53 : i32
    %while3A_56 = arith.addi %while3A_50, %while3A_55 : i32
    %while3A_57 = arith.constant 1 : i32
    scf.for %while3A_72 = %while3A_50 to %while3A_56 step %while3A_57  : i32 {
      %sub3A_73 = arith.constant 16 : i32
      %sub3A_74 = arith.subi %while3A_72, %sub3A_73 : i32
      %dma_wait3A = arith.constant 0 : i32
      %dma_wait3A_75 = tpu.memref_slice %arg4[%sub3A_74, %dma_wait3A] : memref<79x128xi32, #tpu.memory_space<vmem>> -> memref<1x128xi32, #tpu.memory_space<vmem>>
      %dma_wait3A_76 = tpu.memref_squeeze %dma_wait3A_75 : memref<1x128xi32, #tpu.memory_space<vmem>> -> memref<128xi32, #tpu.memory_space<vmem>>
      %dma_wait3A_77 = arith.constant 0 : i32
      %dma_wait3A_78 = arith.constant 0 : i32
      %dma_wait3A_79 = tpu.memref_slice %arg7[%dma_wait3A_77, %dma_wait3A_78] : memref<10016x16xf32, #tpu.memory_space<vmem_shared>> -> memref<10016x16xf32, #tpu.memory_space<vmem_shared>>
      tpu.wait_indirect_dma semaphore(%arg8 : memref<!tpu.dma_semaphore, #tpu.memory_space<semaphore_mem>>) src(%arg5 : memref<128x16xf32, #tpu.memory_space<vmem>>) dst(%dma_wait3A_79 : memref<10016x16xf32, #tpu.memory_space<vmem_shared>>)
      %dma_start3A = arith.constant 0 : i32
      %dma_start3A_80 = tpu.memref_slice %arg4[%while3A_72, %dma_start3A] : memref<79x128xi32, #tpu.memory_space<vmem>> -> memref<1x128xi32, #tpu.memory_space<vmem>>
      %dma_start3A_81 = tpu.memref_squeeze %dma_start3A_80 : memref<1x128xi32, #tpu.memory_space<vmem>> -> memref<128xi32, #tpu.memory_space<vmem>>
      %dma_start3A_82 = arith.constant 0 : i32
      %dma_start3A_83 = arith.constant 0 : i32
      %dma_start3A_84 = tpu.memref_slice %arg7[%dma_start3A_82, %dma_start3A_83] : memref<10016x16xf32, #tpu.memory_space<vmem_shared>> -> memref<10016x16xf32, #tpu.memory_space<vmem_shared>>
      tpu.enqueue_indirect_dma source(%arg5 : memref<128x16xf32, #tpu.memory_space<vmem>>) target(%dma_start3A_84 : memref<10016x16xf32, #tpu.memory_space<vmem_shared>>) offsets(%dma_start3A_81 : memref<128xi32, #tpu.memory_space<vmem>>) semaphore(%arg8 : memref<!tpu.dma_semaphore, #tpu.memory_space<semaphore_mem>>) {add = true}
    }
    %while3A_58 = arith.constant 1 : i32
    scf.for %while3A_72 = %while3A_56 to %while3A_52 step %while3A_58  : i32 {
      %sub3A_73 = arith.constant 16 : i32
      %sub3A_74 = arith.subi %while3A_72, %sub3A_73 : i32
      %dma_wait3A = arith.constant 0 : i32
      %dma_wait3A_75 = tpu.memref_slice %arg4[%sub3A_74, %dma_wait3A] : memref<79x128xi32, #tpu.memory_space<vmem>> -> memref<1x128xi32, #tpu.memory_space<vmem>>
      %dma_wait3A_76 = tpu.memref_squeeze %dma_wait3A_75 : memref<1x128xi32, #tpu.memory_space<vmem>> -> memref<128xi32, #tpu.memory_space<vmem>>
      %dma_wait3A_77 = arith.constant 0 : i32
      %dma_wait3A_78 = arith.constant 0 : i32
      %dma_wait3A_79 = tpu.memref_slice %arg7[%dma_wait3A_77, %dma_wait3A_78] : memref<10016x16xf32, #tpu.memory_space<vmem_shared>> -> memref<10016x16xf32, #tpu.memory_space<vmem_shared>>
      tpu.wait_indirect_dma semaphore(%arg8 : memref<!tpu.dma_semaphore, #tpu.memory_space<semaphore_mem>>) src(%arg5 : memref<128x16xf32, #tpu.memory_space<vmem>>) dst(%dma_wait3A_79 : memref<10016x16xf32, #tpu.memory_space<vmem_shared>>)
      %dma_start3A = arith.constant 0 : i32
      %dma_start3A_80 = tpu.memref_slice %arg4[%while3A_72, %dma_start3A] : memref<79x128xi32, #tpu.memory_space<vmem>> -> memref<1x128xi32, #tpu.memory_space<vmem>>
      %dma_start3A_81 = tpu.memref_squeeze %dma_start3A_80 : memref<1x128xi32, #tpu.memory_space<vmem>> -> memref<128xi32, #tpu.memory_space<vmem>>
      %dma_start3A_82 = arith.constant 0 : i32
      %dma_start3A_83 = arith.constant 0 : i32
      %dma_start3A_84 = tpu.memref_slice %arg7[%dma_start3A_82, %dma_start3A_83] : memref<10016x16xf32, #tpu.memory_space<vmem_shared>> -> memref<10016x16xf32, #tpu.memory_space<vmem_shared>>
      tpu.enqueue_indirect_dma source(%arg5 : memref<128x16xf32, #tpu.memory_space<vmem>>) target(%dma_start3A_84 : memref<10016x16xf32, #tpu.memory_space<vmem_shared>>) offsets(%dma_start3A_81 : memref<128xi32, #tpu.memory_space<vmem>>) semaphore(%arg8 : memref<!tpu.dma_semaphore, #tpu.memory_space<semaphore_mem>>) {add = true}
    }
    %sub3A = arith.constant 16 : i32
    %sub3A_59 = arith.subi %add3A_8, %sub3A : i32
    %while3A_60 = arith.constant 0 : i32
    %while3A_61 = arith.subi %add3A_8, %sub3A_59 : i32
    %while3A_62 = arith.addi %sub3A_59, %while3A_61 : i32
    %while3A_63 = arith.constant 1 : i32
    %while3A_64 = arith.divsi %while3A_61, %while3A_63 : i32
    %while3A_65 = arith.muli %while3A_64, %while3A_63 : i32
    %while3A_66 = arith.addi %sub3A_59, %while3A_65 : i32
    %while3A_67 = arith.constant 1 : i32
    scf.for %while3A_72 = %sub3A_59 to %while3A_66 step %while3A_67  : i32 {
      %dma_wait3A = arith.constant 0 : i32
      %dma_wait3A_73 = tpu.memref_slice %arg4[%while3A_72, %dma_wait3A] : memref<79x128xi32, #tpu.memory_space<vmem>> -> memref<1x128xi32, #tpu.memory_space<vmem>>
      %dma_wait3A_74 = tpu.memref_squeeze %dma_wait3A_73 : memref<1x128xi32, #tpu.memory_space<vmem>> -> memref<128xi32, #tpu.memory_space<vmem>>
      %dma_wait3A_75 = arith.constant 0 : i32
      %dma_wait3A_76 = arith.constant 0 : i32
      %dma_wait3A_77 = tpu.memref_slice %arg7[%dma_wait3A_75, %dma_wait3A_76] : memref<10016x16xf32, #tpu.memory_space<vmem_shared>> -> memref<10016x16xf32, #tpu.memory_space<vmem_shared>>
      tpu.wait_indirect_dma semaphore(%arg8 : memref<!tpu.dma_semaphore, #tpu.memory_space<semaphore_mem>>) src(%arg5 : memref<128x16xf32, #tpu.memory_space<vmem>>) dst(%dma_wait3A_77 : memref<10016x16xf32, #tpu.memory_space<vmem_shared>>)
    }
    %while3A_68 = arith.constant 1 : i32
    scf.for %while3A_72 = %while3A_66 to %while3A_62 step %while3A_68  : i32 {
      %dma_wait3A = arith.constant 0 : i32
      %dma_wait3A_73 = tpu.memref_slice %arg4[%while3A_72, %dma_wait3A] : memref<79x128xi32, #tpu.memory_space<vmem>> -> memref<1x128xi32, #tpu.memory_space<vmem>>
      %dma_wait3A_74 = tpu.memref_squeeze %dma_wait3A_73 : memref<1x128xi32, #tpu.memory_space<vmem>> -> memref<128xi32, #tpu.memory_space<vmem>>
      %dma_wait3A_75 = arith.constant 0 : i32
      %dma_wait3A_76 = arith.constant 0 : i32
      %dma_wait3A_77 = tpu.memref_slice %arg7[%dma_wait3A_75, %dma_wait3A_76] : memref<10016x16xf32, #tpu.memory_space<vmem_shared>> -> memref<10016x16xf32, #tpu.memory_space<vmem_shared>>
      tpu.wait_indirect_dma semaphore(%arg8 : memref<!tpu.dma_semaphore, #tpu.memory_space<semaphore_mem>>) src(%arg5 : memref<128x16xf32, #tpu.memory_space<vmem>>) dst(%dma_wait3A_77 : memref<10016x16xf32, #tpu.memory_space<vmem_shared>>)
    }
    %barrier3A_69 = arith.constant 0 : index
    tpu.barrier barrier_id(%barrier3A_69)
    %mul3A_70 = arith.constant 626 : i32
    %mul3A_71 = arith.muli %arg1, %mul3A_70 : i32
    "tpu.region"() ({
      %run_scoped3A = tpu.sem_alloc : memref<!tpu.dma_semaphore, #tpu.memory_space<semaphore_mem>>
      %dma_start3A = arith.constant 0 : i32
      %dma_start3A_72 = tpu.memref_slice %arg3[%arg0, %mul3A_71, %dma_start3A] : memref<2x10016x16xf32, #tpu.memory_space<hbm>> -> memref<1x626x16xf32, #tpu.memory_space<hbm>>
      %dma_start3A_73 = tpu.memref_squeeze %dma_start3A_72 : memref<1x626x16xf32, #tpu.memory_space<hbm>> -> memref<626x16xf32, #tpu.memory_space<hbm>>
      %dma_start3A_74 = arith.constant 0 : i32
      %dma_start3A_75 = tpu.memref_slice %arg7[%mul3A_71, %dma_start3A_74] : memref<10016x16xf32, #tpu.memory_space<vmem_shared>> -> memref<626x16xf32, #tpu.memory_space<vmem_shared>>
      tpu.enqueue_dma source(%dma_start3A_75 : memref<626x16xf32, #tpu.memory_space<vmem_shared>>) target(%dma_start3A_73 : memref<626x16xf32, #tpu.memory_space<hbm>>) target_semaphore(%run_scoped3A : memref<!tpu.dma_semaphore, #tpu.memory_space<semaphore_mem>>)
      %dma_wait3A = arith.constant 0 : i32
      %dma_wait3A_76 = tpu.memref_slice %arg3[%arg0, %mul3A_71, %dma_wait3A] : memref<2x10016x16xf32, #tpu.memory_space<hbm>> -> memref<1x626x16xf32, #tpu.memory_space<hbm>>
      %dma_wait3A_77 = tpu.memref_squeeze %dma_wait3A_76 : memref<1x626x16xf32, #tpu.memory_space<hbm>> -> memref<626x16xf32, #tpu.memory_space<hbm>>
      %dma_wait3A_78 = arith.constant 0 : i32
      %dma_wait3A_79 = tpu.memref_slice %arg7[%mul3A_71, %dma_wait3A_78] : memref<10016x16xf32, #tpu.memory_space<vmem_shared>> -> memref<626x16xf32, #tpu.memory_space<vmem_shared>>
      tpu.wait_dma2 semaphore(%run_scoped3A : memref<!tpu.dma_semaphore, #tpu.memory_space<semaphore_mem>>) src(%dma_wait3A_79 : memref<626x16xf32, #tpu.memory_space<vmem_shared>>) dst(%dma_wait3A_77 : memref<626x16xf32, #tpu.memory_space<hbm>>)
      tpu.yield
    }) : () -> ()
    return
  }
}

</mosaic_0001>

<sc_bundles>
// kernel: _sc_degree.3.cloned.1.call-start
scs
__scs_entry_jumppad:
0x0: {  	(pc) =	sbr.rel $0x88, $3  }
0x1: {  	(tag) =	ssettag $0x0;
	lr =	simm.s32 $0x1  }
0x2: {  	[smem:$0x3FA0] =	sst lr;
	_ =	strace $0xD0000000  }
0x3: {  	_ = 	snop  }
0x4: {  	_ = 	snop  }
0x5: {  	_ = 	snop  }
0x6: {  	_ = 	snop  }
0x7: {  	_ = 	snop  }
__scs_overlays_trampoline_lowered:
0x8: {  	[smem:$0x3FAF] =	sst s0  }
0x9: {  	[smem:$0x3FB0] =	sst s1  }
0xa: {  	[smem:$0x3FB1] =	sst s2  }
0xb: {  	[smem:$0x3FB2] =	sst s3  }
0xc: {  	[smem:$0x3FB3] =	sst s4  }
0xd: {  	[smem:$0x3FB4] =	sst s5  }
0xe: {  	[smem:$0x3FB5] =	sst s6  }
0xf: {  	[smem:$0x3FB6] =	sst s7  }
0x10: {  	[smem:$0x3FB7] =	sst s8  }
0x11: {  	[smem:$0x3FB8] =	sst s9;
	s0 =	simm.s32 @!p0 $0x0  }
0x12: {  	s1 =	sld [smem:$0x3F9E];
	s0 =	simm.s32 @p0 $0x1  }
0x13: {  	[smem:$0x3FB9] =	sst s0;
	s0 =	simm.s32 @!p1 $0x0  }
0x14: {  	s2 =	sld [smem:$0x3F9D];
	s0 =	simm.s32 @p1 $0x1  }
0x15: {  	[smem:$0x3FBA] =	sst s0;
	s0 =	simm.s32 @!p2 $0x0  }
0x16: {  	s3 =	sld [smem:$0x3FDB];
	s0 =	simm.s32 @p2 $0x1  }
0x17: {  	s4 =	simm.s32 $0x1BF5;
	[smem:$0x3FBC] =	sst s0  }
0x18: {  	s0 =	sld [smem:$0x3F9F];
	_ =	swait.ge [sflag:s4], $0x0  }
0x19: {  	s7 =	sld [smem:$0x3FA0]  }
0x1a: {  	s8 =	sadd.s32 $0xFFFFE003, lr  }
0x1b: {  	s9 =	sadd.s32 $0xFFFFFEF7, lr;
	s5 =	simm.s32 $0xFFFFFFFF;
	p2 =	slt.u32 s8, $0xFFFFF086  }
0x1c: {  	p1 =	slt.u32 s9, $0xF7A;
	s5 =	simm.s32 @!p2 $0x0  }
0x1d: {  	s5 =	simm.s32 @p1 $0x1;
	p0 =	seq.s32 s7, s2  }
0x1e: {  	s7 =	smul.u32 @!p0 $0xF7A, s2;
	p2 =	seq.s32 @!p0 s5, $0x0  }
0x1f: {  	s9 =	smul.u32 $0xF7A, s1;
	s8 =	simm.s32 @!p0 $0x1BF5;
	p2 =	por !p2, p0  }
0x20: {  	[sflag:s8] =	ssyncset.s32 @!p0 $0xFFFFF086;
	s6 =	sadd.s32 @!p0 s3, s7;
	s7 =	simm.s32 @!p0 $0x108  }
0x21: {  	s3 =	sadd.s32 s3, s9;
	s6 =	sadd.s32 @!p0 $0x88, s6;
	s7 =	simm.s32 @p2 $0x1082  }
0x22: {  	[simem:s7], [sflag:s8] =	dma.local @!p0 [hbm:s6], $0xF7A  }
0x23: {  	s9 =	sor.u32 $0xD0000000, s2;
	s6 =	simm.s32 $0x108;
	_ =	swait.ge @!p0 [sflag:s8], $0x0  }
0x24: {  	s3 =	sadd.s32 $0x88, s3;
	s6 =	simm.s32 @!p1 $0x1082;
	[sflag:s4] =	ssyncset.s32 $0xFFFFF086  }
0x25: {  	[simem:s6], [sflag:s4] =	dma.local [hbm:s3], $0xF7A  }
0x26: {  	[smem:$0x3FA0] =	sst s1;
	(tag) =	ssettag s2;
	_ =	strace s9  }
0x27: {  	s1 =	sld [smem:$0x3FB0]  }
0x28: {  	s2 =	sld [smem:$0x3FB1]  }
0x29: {  	s4 =	sld [smem:$0x3FB3]  }
0x2a: {  	p0 =	seq.s32 s5, $0x0;
	s5 =	sld [smem:$0x3FB4]  }
0x2b: {  	s6 =	sld [smem:$0x3FB5]  }
0x2c: {  	s7 =	sld [smem:$0x3FB6]  }
0x2d: {  	s3 =	simm.s32 $0x108;
	s8 =	sld [smem:$0x3FB7]  }
0x2e: {  	s3 =	simm.s32 @!p0 $0x1082;
	s9 =	sld [smem:$0x3FB8]  }
0x2f: {  	lr =	sadd.s32 s0, s3;
	s0 =	sld [smem:$0x3FAF]  }
0x30: {  	s3 =	sld [smem:$0x3FB2]  }
0x31: {  	[smem:$0x3FBB] =	sst s10  }
0x32: {  	s10 =	sld [smem:$0x3FB9];
	_ =	sdelay $0x3  }
0x33: {  	p0 =	seq.s32 s10, $0x1;
	s10 =	sld [smem:$0x3FBB];
	_ =	sdelay $0x3  }
0x34: {  	[smem:$0x3FBB] =	sst s10  }
0x35: {  	s10 =	sld [smem:$0x3FBA];
	_ =	sdelay $0x3  }
0x36: {  	p1 =	seq.s32 s10, $0x1;
	s10 =	sld [smem:$0x3FBB];
	_ =	sdelay $0x3  }
0x37: {  	[smem:$0x3FBB] =	sst s10  }
0x38: {  	s10 =	sld [smem:$0x3FBC]  }
0x39: {  	_ = 	snop;
	(pc) =	sbr.ind lr, $3  }
0x3a: {  	_ = 	snop  }
0x3b: {  	_ = 	snop  }
0x3c: {  	p2 =	seq.s32 s10, $0x1;
	s10 =	sld [smem:$0x3FBB]  }
0x3d: {  	_ =	shalt  }
0x3e: {  	_ =	shalt  }
0x3f: {  	_ =	shalt  }
0x40: {  	_ =	shalt  }
0x41: {  	_ =	shalt  }
0x42: {  	_ =	shalt  }
0x43: {  	_ =	shalt  }
0x44: {  	_ =	shalt  }
0x45: {  	_ =	shalt  }
0x46: {  	_ =	shalt  }
0x47: {  	_ =	shalt  }
0x48: {  	_ =	shalt  }
0x49: {  	_ =	shalt  }
0x4a: {  	_ =	shalt  }
0x4b: {  	_ =	shalt  }
0x4c: {  	_ =	shalt  }
0x4d: {  	_ =	shalt  }
0x4e: {  	_ =	shalt  }
0x4f: {  	_ =	shalt  }
0x50: {  	_ =	shalt  }
0x51: {  	_ =	shalt  }
0x52: {  	_ =	shalt  }
0x53: {  	_ =	shalt  }
0x54: {  	_ =	shalt  }
0x55: {  	_ =	shalt  }
0x56: {  	_ =	shalt  }
0x57: {  	_ =	shalt  }
0x58: {  	_ =	shalt  }
0x59: {  	_ =	shalt  }
0x5a: {  	_ =	shalt  }
0x5b: {  	_ =	shalt  }
0x5c: {  	_ =	shalt  }
0x5d: {  	_ =	shalt  }
0x5e: {  	_ =	shalt  }
0x5f: {  	_ =	shalt  }
0x60: {  	_ =	shalt  }
0x61: {  	_ =	shalt  }
0x62: {  	_ =	shalt  }
0x63: {  	_ =	shalt  }
0x64: {  	_ =	shalt  }
0x65: {  	_ =	shalt  }
0x66: {  	_ =	shalt  }
0x67: {  	_ =	shalt  }
0x68: {  	_ =	shalt  }
0x69: {  	_ =	shalt  }
0x6a: {  	_ =	shalt  }
0x6b: {  	_ =	shalt  }
0x6c: {  	_ =	shalt  }
0x6d: {  	_ =	shalt  }
0x6e: {  	_ =	shalt  }
0x6f: {  	_ =	shalt  }
0x70: {  	_ =	shalt  }
0x71: {  	_ =	shalt  }
0x72: {  	_ =	shalt  }
0x73: {  	_ =	shalt  }
0x74: {  	_ =	shalt  }
0x75: {  	_ =	shalt  }
0x76: {  	_ =	shalt  }
0x77: {  	_ =	shalt  }
0x78: {  	_ =	shalt  }
0x79: {  	_ =	shalt  }
0x7a: {  	_ =	shalt  }
0x7b: {  	_ =	shalt  }
0x7c: {  	_ =	shalt  }
0x7d: {  	_ =	shalt  }
0x7e: {  	_ =	shalt  }
0x7f: {  	_ =	shalt  }
0x80: {  	_ =	shalt  }
0x81: {  	_ =	shalt  }
0x82: {  	_ =	shalt  }
0x83: {  	_ =	shalt  }
0x84: {  	_ =	shalt  }
0x85: {  	_ =	shalt  }
0x86: {  	_ =	shalt  }
0x87: {  	_ =	shalt  }
.Lfunc_end0:
.L_simem_size_0:
called_computation_lowered:
.L_overlay_start_0:
0x88: {  	s2 =	sld [smem:$0x3FD9]  }
0x89: {  	s3 =	sld [smem:$0x3FFE];
	_ =	sdelay $0x1  }
0x8a: {  	s1 =	srdreg.scid  }
0x8b: {  	s0 =	sand.u32 $0x1, s1  }
0x8c: {  	s18 =	sshll.u32 s0, $0xA;
	s2 =	sadd.s32 s3, s2  }
0x8d: {  	s2 =	sadd.s32 s2, s18  }
0x8e: {  	[smem:$0x3FC7] =	sst s2  }
0x8f: {  	_ = 	snop  }
0x90: {  	s2 =	sld [smem:$0x3FC9]  }
0x91: {  	s19 =	sld [smem:$0x3FD0];
	(tm) =	ssettm $0x1  }
0x92: {  	s4 =	sld [smem:$0x3FFB];
	_ =	sdelay $0x3  }
0x93: {  	_ =	strace s4  }
0x94: {  	s4 =	sld [smem:$0x3FFC];
	_ =	sdelay $0x3  }
0x95: {  	_ =	strace s4  }
0x96: {  	s4 =	sld [smem:$0x3FFD];
	_ =	sdelay $0x3  }
0x97: {  	_ =	strace s4  }
0x98: {  	_ =	strace $0x8FFFFFFF  }
0x99: {  	s20 =	sld [smem:$0x3FDB];
	_ =	sdelay $0x1  }
0x9a: {  	s5 =	simm.s32 $_scs_section_size  }
0x9b: {  	s6 =	simm.s32 $_size__tile_overlayer_lowered;
	s7 =	simm.s32 $_tile_overlayer_lowered  }
0x9c: {  	s23 =	simm.s32 $0x1BFF;
	s22 =	sshll.u32 s7, $0x1;
	s4 =	sadd.s32 s5, s20  }
0x9d: {  	s8 =	simm.s32 $0x0;
	s21 =	sshll.u32 s6, $0x1;
	s6 =	sadd.s32 s22, s4  }
0x9e: {  	[timem:s8], [sflag:s23] =	dma.local [hbm:s6], s21  }
0x9f: {  	_ =	swait.ge [sflag:s23], s21  }
0xa0: {  	s5 =	ssub.s32 $0x0, s21;
	[sflag:s23] =	ssyncset.done $0x0  }
0xa1: {  	[sflag:s23] =	ssyncadd.s32 s5;
	_ =	sdelay $0x1  }
0xa2: {  	s24 =	simm.s32 $0x1B8B  }
0xa3: {  	_ =	swait.ge [sflag:s24], $0x1  }
0xa4: {  	[sflag:s24] =	ssyncset.done $0x0  }
0xa5: {  	s25 =	simm.s32 $0x1B8E;
	[sflag:s24] =	ssyncadd.s32 $0xFFFFFFFF  }
0xa6: {  	s26 =	simm.s32 $execute0_lowered;
	[smem:$0x3FD2] =	sst s25  }
0xa7: {  	s5 =	sshll.u32 s26, $0x1;
	_ =	strace $0x80000046;
	[dreg:$0x1] =	wrdreg $0xFFFFFFFF  }
0xa8: {  	s28 =	simm.s32 $_size_execute0_lowered;
	s4 =	sadd.s32 s4, s5;
	[dreg:$0x0] =	wrdreg $0x0  }
0xa9: {  	s5 =	sshll.u32 s28, $0x1;
	[dreg:$0x2] =	wrdreg s4  }
0xaa: {  	[dreg:$0x3] =	wrdreg s5  }
0xab: {  	[dreg:$0x4] =	wrdreg $0xC0  }
0xac: {  	_ =	task [dreg:s8], $0x5FFFF  }
0xad: {  	[dreg:$0x1] =	wrdreg $0xFFFFFFFF  }
0xae: {  	[dreg:$0x0] =	wrdreg $0x60  }
0xaf: {  	[dreg:$0x2] =	wrdreg s2  }
0xb0: {  	[dreg:$0x3] =	wrdreg s19  }
0xb1: {  	[dreg:$0x4] =	wrdreg $0x37800  }
0xb2: {  	[dreg:$0x5] =	wrdreg $0x9  }
0xb3: {  	_ =	task.clear_ibuf [dreg:s8], $0x6FFFF;
	_ =	strace $0x90000046  }
0xb4: {  	s29 =	simm.s32 $0x9;
	_ =	strace $0x80000048  }
0xb5: {  	_ =	swait.ge [sflag:s29], $0x1  }
0xb6: {  	[sflag:s29] =	ssyncadd.s32 $0xFFFFFFFF  }
0xb7: {  	_ =	strace $0x90000048  }
0xb8: {  	_ =	sfence  }
0xb9: {  	s30 =	sld [smem:$0x0];
	_ =	sdelay $0x2  }
0xba: {  	s31 =	sshll.u32 s1, $0xD;
	s1 =	sshrl.u32 s1, $0x2  }
0xbb: {  	s3 =	sand.u32 $0x4000, s31;
	s1 =	sadd.s32 s1, s30  }
0xbc: {  	s0 =	sor.u32 s3, s0;
	s1 =	sshll.u32 s1, $0x11  }
0xbd: {  	s0 =	sor.u32 s1, s0  }
0xbe: {  	s0 =	sadd.s32 $0x8F2B, s0  }
0xbf: {  	[sflag:s0] =	ssyncadd.remote.s32 $0x1  }
0xc0: {  	_ =	sfence.sel $0xFFFF  }
0xc1: {  	[dreg:$0x0] =	wrdreg $0xFFFFFFFF;
	(pc) =	sbr.abs _section_cstart, $3  }
0xc2: {  	[dreg:$0x1] =	wrdreg $0xFFFFFFFF  }
0xc3: {  	_ =	task.clear_ibuf [dreg:s8], $0x2FFFF;
	_ =	strace $0x9FFFFFFF  }
0xc4: {  	(tm) =	ssettm $0x7FFFFFFF  }
0xc5: {  	_ =	shalt  }
tec
execute0_lowered:
.L_overlay_start_1:
0x0: {  	(tag) =	ssettag $0x1  }
0x1: {  	s0 =	rddreg [dreg:$0x0]  }
0x2: {  	s1 =	rddreg [dreg:$0x1]  }
0x3: {  	s2 =	rddreg [dreg:$0x2];
	s3 =	srdreg.scid  }
0x4: {  	s4 =	simm.s32 $0x0;
	s15 =	stileid.u32;
	s13 =	simm.s32 $0x4F  }
0x5: {  	s14 =	simm.s32 $0x3F;
	s16 =	simm.s32 $0x80;
	s17 =	simm.s32 $0x2780  }
0x6: {  	s21 =	simm.s32 $0x280;
	s22 =	simm.s32 $0x300;
	s28 =	simm.s32 $0x580  }
0x7: {  	s29 =	simm.s32 $0x600;
	s30 =	simm.s32 $0x680;
	s31 =	simm.s32 $0x700  }
0x8: {  	s3 =	sand.u32 $0x1, s3;
	[smem:$0x7FF] =	sst s4;
	s25 =	smul.u32 $0x9C80, s15  }
0x9: {  	s5 =	sshll.u32 s15, $0x1;
	p0 =	slt.u32 s15, $0x2;
	s8 =	smul.u32 $0x2720, s15  }
0xa: {  	s23 =	ssub.s32 $0x2, s3;
	_ =	strace $0x80000047;
	s5 =	sor.u32 s3, s5  }
0xb: {  	s13 =	simm.s32 @!p0 $0x4E;
	s3 =	smul.u32 $0x27200, s3;
	s14 =	simm.s32 @!p0 $0x3E  }
0xc: {  	p0 =	sgt.u32 s15, $0x1;
	s15 =	simm.s32 $0x2;
	s6 =	sshrl.u32 s23, $0x1  }
0xd: {  	s24 =	smul.u32 $0x4E, s5;
	s5 =	smin.u32 s5, $0x4;
	s12 =	sadd.s32 $0xFFFFFFF0, s13  }
0xe: {  	s13 =	ssub.s32 s13, s14;
	s14 =	simm.s32 $0x2F80;
	s11 =	ssub.s32 s23, s6  }
0xf: {  	s6 =	sshrl.u32 s25, $0x2;
	s3 =	sadd.s32 s8, s3;
	s23 =	simm.s32 $0x380  }
0x10: {  	s25 =	simm.s32 $0x480;
	s4 =	sadd.s32 s5, s24;
	s5 =	sadd.s32 s8, s2  }
0x11: {  	s26 =	sadd.s32 s6, s2;
	s3 =	sshrl.u32 s3, $0x3;
	s11 =	smax.u32 s11, $0x1  }
0x12: {  	s24 =	simm.s32 $0x400;
	s4 =	sshll.u32 s4, $0x4;
	s6 =	sadd.s32 $0x800, s26  }
0x13: {  	s7 =	sadd.s32 $0x1000, s26;
	s8 =	sadd.s32 $0x1800, s26;
	s9 =	sadd.s32 $0x2000, s26  }
0x14: {  	s10 =	sadd.s32 s1, s3;
	s26 =	simm.s32 $0x500;
	s3 =	simm.s32 $0x1  }
0x15: {  	v0 =	vimm.f32 $1.000000000e+00;
	v1 =	vimm.f32 $0.0e+00;
	s1 =	simm.s32 $0x0;
	s4 =	sadd.s32 s0, s4;
	s0 =	simm.s32 $0x780  }
.LBB2_1:
0x16: {  	s18 =	simm.s32 @p0 $0x0  }
0x17: {  	[tilespmem:s18], [sflag:$0x2] =	stream.linear.gather @p0 [hbm4b:s4+s18], $0x2700, $0x38;
	[tilespmem:$0x5EA0] =	vst v63  }
0x18: {  	s18 =	simm.s32 @p0 $0x2  }
0x19: {  	_ =	swait.ge @p0 [sflag:s18], $0x2700  }
0x1a: {  	[sflag:s18] =	ssyncset.done @p0 $0x0  }
0x1b: {  	[sflag:s18] =	ssyncadd.s32 @p0 $0xFFFFD900;
	s18 =	simm.s32 @!p0 $0x0  }
0x1c: {  	[tilespmem:s18], [sflag:$0x2] =	stream.linear.gather @!p0 [hbm4b:s4+s18], $0x2780, $0x38;
	[tilespmem:$0x5EA0] =	vst v63  }
0x1d: {  	s18 =	simm.s32 @!p0 $0x2  }
0x1e: {  	_ =	swait.ge @!p0 [sflag:s18], $0x2780  }
0x1f: {  	[sflag:s18] =	ssyncset.done @!p0 $0x0  }
0x20: {  	s19 =	simm.s32 $0x0;
	[sflag:s18] =	ssyncadd.s32 @!p0 $0xFFFFD880;
	s18 =	simm.s32 $0x40  }
.LBB2_2:
0x21: {  	p1 =	sne.s32 s18, $0x1FC0;
	[tilespmem:s19+$0x2780] =	vst v0;
	s20 =	smov.u32 s18;
	s18 =	sadd.s32 $0x40, s18  }
.Ltmp0:
0x22: {  	[tilespmem:s19+$0x2F80] =	vst v1;
	(pc) =	sbr.rel @p1 .LBB2_2-.Ltmp0, $2  }
0x23: {  	_ =	sdelay $0x2  }
0x24: {  	s19 =	sshra.s32 s20, $0x2  }
0x25: {  	[tilespmem:s19+$0x2780] =	vst v0  }
0x26: {  	[tilespmem:s19+$0x2F80] =	vst v1  }
0x27: {  	[spmem:s5] =	stream.linear.scatter [tilespmem:s14], [sflag:$0x2], $0x800, $0x38;
	[tilespmem:$0x5EA0] =	vst v63  }
0x28: {  	_ =	swait.ge [sflag:s15], $0x800  }
0x29: {  	[sflag:s15] =	ssyncset.done $0x0  }
0x2a: {  	[sflag:s15] =	ssyncadd.s32 $0xFFFFF800  }
0x2b: {  	[spmem:s6] =	stream.linear.scatter [tilespmem:s14], [sflag:$0x2], $0x800, $0x38;
	[tilespmem:$0x5EA0] =	vst v63  }
0x2c: {  	_ =	swait.ge [sflag:s15], $0x800  }
0x2d: {  	[sflag:s15] =	ssyncset.done $0x0  }
0x2e: {  	[sflag:s15] =	ssyncadd.s32 $0xFFFFF800  }
0x2f: {  	[spmem:s7] =	stream.linear.scatter [tilespmem:s14], [sflag:$0x2], $0x800, $0x38;
	[tilespmem:$0x5EA0] =	vst v63  }
0x30: {  	_ =	swait.ge [sflag:s15], $0x800  }
0x31: {  	[sflag:s15] =	ssyncset.done $0x0  }
0x32: {  	[sflag:s15] =	ssyncadd.s32 $0xFFFFF800  }
0x33: {  	[spmem:s8] =	stream.linear.scatter [tilespmem:s14], [sflag:$0x2], $0x800, $0x38;
	[tilespmem:$0x5EA0] =	vst v63  }
0x34: {  	_ =	swait.ge [sflag:s15], $0x800  }
0x35: {  	[sflag:s15] =	ssyncset.done $0x0  }
0x36: {  	[sflag:s15] =	ssyncadd.s32 $0xFFFFF800  }
0x37: {  	[spmem:s9] =	stream.linear.scatter [tilespmem:s14], [sflag:$0x2], $0x720, $0x38;
	[tilespmem:$0x5EA0] =	vst v63  }
0x38: {  	_ =	swait.ge [sflag:s15], $0x720  }
0x39: {  	[sflag:s15] =	ssyncset.done $0x0  }
0x3a: {  	[sflag:s15] =	ssyncadd.s32 $0xFFFFF8E0  }
0x3b: {  	s18 =	simm.s32 $0x0;
	[bflag:$0x0] =	sbarrier.arrive $0xFFFF  }
0x3c: {  	[spmem:s2] =	stream.indirect.scatter.add.f32 [tilespmem:s17], [sflag:$0x1], $0x10, s18, s16, $0xb8;
	[tilespmem:$0x5EA0] =	vst v63  }
0x3d: {  	_ = 	snop  }
0x3e: {  	[spmem:s2] =	stream.indirect.scatter.add.f32 [tilespmem:s17], [sflag:$0x1], $0x10, s16, s16, $0xb8;
	[tilespmem:$0x5EA0] =	vst v63  }
0x3f: {  	s20 =	simm.s32 $0x100  }
0x40: {  	[spmem:s2] =	stream.indirect.scatter.add.f32 [tilespmem:s17], [sflag:$0x1], $0x10, s20, s16, $0xb8;
	[tilespmem:$0x5EA0] =	vst v63  }
0x41: {  	s19 =	simm.s32 $0x180  }
0x42: {  	[spmem:s2] =	stream.indirect.scatter.add.f32 [tilespmem:s17], [sflag:$0x1], $0x10, s19, s16, $0xb8;
	[tilespmem:$0x5EA0] =	vst v63  }
0x43: {  	s20 =	simm.s32 $0x200  }
0x44: {  	[spmem:s2] =	stream.indirect.scatter.add.f32 [tilespmem:s17], [sflag:$0x1], $0x10, s20, s16, $0xb8;
	[tilespmem:$0x5EA0] =	vst v63  }
0x45: {  	_ = 	snop  }
0x46: {  	[spmem:s2] =	stream.indirect.scatter.add.f32 [tilespmem:s17], [sflag:$0x1], $0x10, s21, s16, $0xb8;
	[tilespmem:$0x5EA0] =	vst v63  }
0x47: {  	_ = 	snop  }
0x48: {  	[spmem:s2] =	stream.indirect.scatter.add.f32 [tilespmem:s17], [sflag:$0x1], $0x10, s22, s16, $0xb8;
	[tilespmem:$0x5EA0] =	vst v63  }
0x49: {  	_ = 	snop  }
0x4a: {  	[spmem:s2] =	stream.indirect.scatter.add.f32 [tilespmem:s17], [sflag:$0x1], $0x10, s23, s16, $0xb8;
	[tilespmem:$0x5EA0] =	vst v63  }
0x4b: {  	_ = 	snop  }
0x4c: {  	[spmem:s2] =	stream.indirect.scatter.add.f32 [tilespmem:s17], [sflag:$0x1], $0x10, s24, s16, $0xb8;
	[tilespmem:$0x5EA0] =	vst v63  }
0x4d: {  	_ = 	snop  }
0x4e: {  	[spmem:s2] =	stream.indirect.scatter.add.f32 [tilespmem:s17], [sflag:$0x1], $0x10, s25, s16, $0xb8;
	[tilespmem:$0x5EA0] =	vst v63  }
0x4f: {  	_ = 	snop  }
0x50: {  	[spmem:s2] =	stream.indirect.scatter.add.f32 [tilespmem:s17], [sflag:$0x1], $0x10, s26, s16, $0xb8;
	[tilespmem:$0x5EA0] =	vst v63  }
0x51: {  	_ = 	snop  }
0x52: {  	[spmem:s2] =	stream.indirect.scatter.add.f32 [tilespmem:s17], [sflag:$0x1], $0x10, s28, s16, $0xb8;
	[tilespmem:$0x5EA0] =	vst v63  }
0x53: {  	_ = 	snop  }
0x54: {  	[spmem:s2] =	stream.indirect.scatter.add.f32 [tilespmem:s17], [sflag:$0x1], $0x10, s29, s16, $0xb8;
	[tilespmem:$0x5EA0] =	vst v63  }
0x55: {  	_ = 	snop  }
0x56: {  	[spmem:s2] =	stream.indirect.scatter.add.f32 [tilespmem:s17], [sflag:$0x1], $0x10, s30, s16, $0xb8;
	[tilespmem:$0x5EA0] =	vst v63  }
0x57: {  	_ = 	snop  }
0x58: {  	[spmem:s2] =	stream.indirect.scatter.add.f32 [tilespmem:s17], [sflag:$0x1], $0x10, s31, s16, $0xb8;
	[tilespmem:$0x5EA0] =	vst v63  }
0x59: {  	p1 =	sne.s32 s12, $0x1  }
0x5a: {  	[spmem:s2] =	stream.indirect.scatter.add.f32 [tilespmem:s17], [sflag:$0x1], $0x10, s0, s16, $0xb8;
	[tilespmem:$0x5EA0] =	vst v63  }
.Ltmp1:
0x5b: {  	_ = 	snop;
	(pc) =	sbr.rel @!p1 .LBB2_5-.Ltmp1, $4  }
0x5c: {  	_ =	swait.ge [sflag:s3], $0x800  }
0x5d: {  	[sflag:s3] =	ssyncset.done $0x0  }
0x5e: {  	s18 =	simm.s32 $0x800;
	s19 =	sadd.s32 $0xFFFFFFFF, s12;
	[sflag:s3] =	ssyncadd.s32 $0xFFFFF800  }
0x5f: {  	[spmem:s2] =	stream.indirect.scatter.add.f32 [tilespmem:s17], [sflag:$0x1], $0x10, s18, s16, $0xb8;
	[tilespmem:$0x5EA0] =	vst v63  }
.LBB2_4:
0x60: {  	_ =	swait.ge [sflag:s3], $0x800;
	p1 =	sne.s32 s19, $0x1  }
.Ltmp2:
0x61: {  	(pc) =	sbr.rel @p1 .LBB2_4-.Ltmp2, $4  }
0x62: {  	_ = 	snop  }
0x63: {  	s18 =	sadd.s32 $0x80, s18;
	[sflag:s3] =	ssyncset.done $0x0  }
0x64: {  	s19 =	sadd.s32 $0xFFFFFFFF, s19;
	[sflag:s3] =	ssyncadd.s32 $0xFFFFF800  }
0x65: {  	[spmem:s2] =	stream.indirect.scatter.add.f32 [tilespmem:s17], [sflag:$0x1], $0x10, s18, s16, $0xb8;
	[tilespmem:$0x5EA0] =	vst v63  }
.LBB2_5:
0x66: {  	p1 =	sne.s32 s13, $0x1  }
.Ltmp3:
0x67: {  	_ = 	snop;
	(pc) =	sbr.rel @!p1 .LBB2_7-.Ltmp3, $3  }
0x68: {  	_ =	sdelay $0x1  }
0x69: {  	_ =	swait.ge [sflag:s3], $0x800  }
0x6a: {  	s18 =	sadd.s32 $0xFFFFFFFF, s13;
	[sflag:s3] =	ssyncset.done $0x0  }
.LBB2_6:
0x6b: {  	p1 =	sne.s32 s18, $0x1;
	s18 =	sadd.s32 $0xFFFFFFFF, s18;
	[sflag:s3] =	ssyncadd.s32 $0xFFFFF800  }
.Ltmp4:
0x6c: {  	(pc) =	sbr.rel @p1 .LBB2_6-.Ltmp4, $3  }
0x6d: {  	_ =	sdelay $0x1  }
0x6e: {  	_ =	swait.ge [sflag:s3], $0x800  }
0x6f: {  	[sflag:s3] =	ssyncset.done $0x0  }
.LBB2_7:
0x70: {  	[sflag:s3] =	ssyncadd.s32 $0xFFFFF800;
	s18 =	stileid.u32;
	s1 =	sadd.s32 $0x1, s1  }
0x71: {  	s19 =	sshrl.u32 s5, $0x3;
	s18 =	sshll.u32 s18, $0x6;
	p1 =	sne.s32 s1, s11  }
.Ltmp5:
0x72: {  	[bflag:$0x0] =	sbarrier.arrive $0xFFFF;
	s18 =	sor.u32 $0x1C02, s18;
	(pc) =	sbr.rel @p1 .LBB2_1-.Ltmp5, $4  }
0x73: {  	[hbm:s10], [sflag:s18] =	dma.local [spmem:s19], $0x4E4  }
0x74: {  	_ =	swait.ge [sflag:s15], $0x4E4  }
0x75: {  	[sflag:s15] =	ssyncset.done $0x0  }
0x76: {  	[sflag:s15] =	ssyncadd.s32 $0xFFFFFB1C  }
0x77: {  	_ =	sfence.sel $0x180000  }
0x78: {  	[bflag:$0x0] =	sbarrier.arrive $0xFFFF  }
0x79: {  	_ =	strace $0x90000047  }
0x7a: {  	s0 =	stileid.u32;
	[bflag:$0x2] =	sbarrier.arrive $0xFFFF  }
0x7b: {  	p0 =	sne.s32 s0, $0x0;
	s0 =	rddreg [dreg:$0x3]  }
0x7c: {  	s0 =	sadd.s32 @!p0 $0x100000, s0  }
0x7d: {  	[sflag:s0] =	ssyncadd.tile.s32 @!p0 $0x1;
	_ =	shalt  }
.Lfunc_end2:
_tile_overlayer_lowered:
.L_overlay_start_2:
0x7e: {  	(tag) =	ssettag $0x2  }
0x7f: {  	s0 =	rddreg [dreg:$0x0];
	s2 =	stileid.u32  }
0x80: {  	s1 =	rddreg [dreg:$0x1];
	p0 =	sne.s32 s2, $0x0  }
0x81: {  	s3 =	rddreg [dreg:$0x2];
	[bflag:$0x3] =	sbarrier.arrive $0xFFFF;
	s2 =	simm.s32 @!p0 $0x1C02  }
0x82: {  	[timem:s3], [sflag:s2] =	dma.local @!p0 [hbm:s0], s1  }
0x83: {  	s0 =	simm.s32 @!p0 $0x2  }
0x84: {  	_ =	swait.ge @!p0 [sflag:s0], s1  }
0x85: {  	s1 =	ssub.s32 @!p0 $0x0, s1;
	[sflag:s0] =	ssyncset.done @!p0 $0x0  }
0x86: {  	[sflag:s0] =	ssyncadd.s32 @!p0 s1  }
0x87: {  	[bflag:$0x3] =	sbarrier.arrive $0xFFFF  }
0x88: {  	_ =	shalt  }

</sc_bundles>
